<compile_context>
chip_gen: v7x
topology: tpu7x:2x2x1
jax: 0.10.2.dev20260603
libtpu: 0.0.44.dev20260713+nightly
codegen_flags: <defaults>
</compile_context>

<pallas_src>
import functools

import jax
import jax.numpy as jnp
import numpy as np
from jax import lax
from jax.experimental import pallas as pl
from jax.experimental.pallas import tpu as pltpu
from jax.experimental.pallas import tpu_sc as plsc

N_NODES = 100000
MAX_DEGREE = 32
BATCH = 16384
NUM_SAMPLES = 16

NC, NS = 2, 16
NW = NC * NS
B_HALF = BATCH // 2

_PERM16 = np.array([31, 7, 4, 29, 16, 19, 2, 5, 30, 3, 22, 6, 18, 10, 11, 15],
                   dtype=np.int32)

_mesh = plsc.VectorSubcoreMesh(core_axis_name="c", subcore_axis_name="s")


@functools.partial(
    pl.kernel,
    out_type=jax.ShapeDtypeStruct((NUM_SAMPLES, BATCH), jnp.int32),
    mesh=_mesh,
    scratch_types=[
        pltpu.VMEM((B_HALF,), jnp.int32),
        pltpu.VMEM((N_NODES,), jnp.int32),
        pltpu.VMEM((B_HALF,), jnp.int32),
        pltpu.VMEM((NUM_SAMPLES,), jnp.int32),
    ],
    compiler_params=pltpu.CompilerParams(
        needs_layout_passes=False, use_tc_tiling_on_sc=True),
)
def _sample_neighbors(adjt_hbm, ids_hbm, perm_hbm, out_hbm,
                      ids_v, col_v, out_v, perm_v):
    wid = lax.axis_index("s") * NC + lax.axis_index("c")
    j = wid >> 1
    h = wid & 1

    pltpu.sync_copy(perm_hbm, perm_v)
    pj = jnp.max(plsc.load_gather(perm_v, [jnp.full((16,), j, jnp.int32)]))

    pltpu.sync_copy(ids_hbm.at[h], ids_v)
    pltpu.sync_copy(adjt_hbm.at[pj], col_v)

    @plsc.parallel_loop(jnp.int32(0), jnp.int32(B_HALF), step=jnp.int32(16), unroll=8)
    def gather_block(o):
        idx = ids_v[pl.ds(o, 16)]
        out_v[pl.ds(o, 16)] = plsc.load_gather(col_v, [idx])

    pltpu.sync_copy(out_v, out_hbm.at[j, pl.ds(h * np.int32(B_HALF), B_HALF)])


def kernel(ids, num_samples, adj_info):
    del num_samples
    ids32 = ids.astype(jnp.int32).reshape(2, B_HALF)
    adjt32 = lax.bitcast_convert_type(adj_info.T.astype(jnp.uint32), jnp.int32)
    outt = _sample_neighbors(adjt32, ids32, jnp.asarray(_PERM16))
    return outt.T.astype(jnp.int64)

# --- scband reference (transcript-rebuilt; emitter-appended) ---
"""Pipeline reference for scband-uniform-neighbor-sampler-28767690949361 (READ-ONLY COPY).

The authoritative reference and input builder live on the scoring server;
editing this copy changes nothing except your own understanding.
"""

import jax, jax.numpy as jnp
import numpy as np

jax.config.update("jax_enable_x64", True)

N_NODES = 100000
MAX_DEGREE = 32
BATCH = 16384
NUM_SAMPLES = 16


def setup_inputs(seed: int = 0) -> dict:
    key = jax.random.key(seed)
    k1, k2 = jax.random.split(key)
    # adj_info: padded adjacency lists, one row of MAX_DEGREE neighbor ids per node.
    adj_info = jax.random.randint(k1, (N_NODES, MAX_DEGREE), 0, N_NODES, dtype=jnp.int64)
    # ids: minibatch of node ids whose neighborhoods we sample.
    ids = jax.random.randint(k2, (BATCH,), 0, N_NODES, dtype=jnp.int64)
    return {"ids": ids, "num_samples": NUM_SAMPLES, "adj_info": adj_info}


def reference(ids, num_samples, adj_info):
    # tf.nn.embedding_lookup(adj_info, ids) -> row gather
    adj_lists = jnp.take(adj_info, ids, axis=0)  # [B, MAX_DEGREE]
    # tf.transpose -> tf.random.shuffle -> tf.transpose shuffles the COLUMNS
    # with a single random permutation shared across all rows.
    perm = jax.random.permutation(jax.random.key(42), adj_lists.shape[1])
    adj_lists = adj_lists[:, perm]
    # tf.slice(adj_lists, [0, 0], [-1, num_samples])
    start = num_samples - NUM_SAMPLES
    return jax.lax.dynamic_slice_in_dim(adj_lists, start, NUM_SAMPLES, axis=1)

if __name__ == "__main__":
    import jax
    _d = setup_inputs()
    print(jax.jit(kernel)(*tuple(_d.values())))

</pallas_src>

<mosaic_0001>
#map = affine_map<(d0, d1) -> (0, 0)>
#map1 = affine_map<(d0, d1) -> (0)>
module attributes {stable_mosaic.version = 14 : i64} {
  func.func @_sample_neighbors(%arg0: i32, %arg1: i32, %arg2: memref<32x100000xi32, #tpu.memory_space<hbm>>, %arg3: memref<2x8192xi32, #tpu.memory_space<hbm>>, %arg4: memref<16xi32, #tpu.memory_space<hbm>>, %arg5: memref<16x16384xi32, #tpu.memory_space<hbm>>, %arg6: memref<8192xi32, #tpu.memory_space<vmem>>, %arg7: memref<100000xi32, #tpu.memory_space<vmem>>, %arg8: memref<8192xi32, #tpu.memory_space<vmem>>, %arg9: memref<16xi32, #tpu.memory_space<vmem>>) attributes {dimension_semantics = [#tpu.dimension_semantics<core_parallel>, #tpu.dimension_semantics<subcore_parallel>], iteration_bounds = array<i64: 2, 16>, scalar_prefetch = 0 : i64, scratch_operands = 4 : i64, tpu.core_type = #tpu.core_type<sc_vector_subcore>, window_params = [{transform_indices = #map}, {transform_indices = #map}, {transform_indices = #map1}, {transform_indices = #map}]} {
    %mul3A = arith.constant 2 : i32
    %mul3A_0 = arith.muli %arg1, %mul3A : i32
    %add3A = arith.addi %mul3A_0, %arg0 : i32
    %shift_right_arithmetic3A = arith.constant 1 : i32
    %shift_right_arithmetic3A_1 = arith.shrsi %add3A, %shift_right_arithmetic3A : i32
    %and3A = arith.constant 1 : i32
    %and3A_2 = arith.andi %add3A, %and3A : i32
    "tpu.region"() ({
      %run_scoped3A = tpu.sem_alloc : memref<!tpu.dma_semaphore, #tpu.memory_space<semaphore_mem>>
      tpu.enqueue_dma source(%arg4 : memref<16xi32, #tpu.memory_space<hbm>>) target(%arg9 : memref<16xi32, #tpu.memory_space<vmem>>) target_semaphore(%run_scoped3A : memref<!tpu.dma_semaphore, #tpu.memory_space<semaphore_mem>>)
      tpu.wait_dma2 semaphore(%run_scoped3A : memref<!tpu.dma_semaphore, #tpu.memory_space<semaphore_mem>>) src(%arg4 : memref<16xi32, #tpu.memory_space<hbm>>) dst(%arg9 : memref<16xi32, #tpu.memory_space<vmem>>)
      tpu.yield
    }) : () -> ()
    %broadcast_in_dim3A = vector.broadcast %shift_right_arithmetic3A_1 : i32 to vector<16xi32>
    %gather3A = tpu.vector_load_idx %arg9[%broadcast_in_dim3A] : memref<16xi32, #tpu.memory_space<vmem>>[vector<16xi32>], vector<16xi32>,
    %reduce_max3A = arith.constant true
    %reduce_max3A_3 = vector.broadcast %reduce_max3A : i1 to vector<16xi1>
    %reduce_max3A_4 = arith.constant -2147483648 : i32
    %reduce_max3A_5 = vector.broadcast %reduce_max3A_4 : i32 to vector<16xi32>
    %reduce_max3A_6 = arith.xori %gather3A, %reduce_max3A_5 : vector<16xi32>
    %reduce_max3A_7 = tpu.scan <max>, %reduce_max3A_6 masked %reduce_max3A_3 : vector<16xi32>, vector<16xi1> -> vector<16xi32>
    %reduce_max3A_8 = arith.xori %reduce_max3A_7, %reduce_max3A_5 : vector<16xi32>
    %reduce_max3A_9 = vector.extract %reduce_max3A_8[15] : i32 from vector<16xi32>
    "tpu.region"() ({
      %run_scoped3A = tpu.sem_alloc : memref<!tpu.dma_semaphore, #tpu.memory_space<semaphore_mem>>
      %dma_start3A = arith.constant 0 : i32
      %dma_start3A_14 = tpu.memref_slice %arg3[%and3A_2, %dma_start3A] : memref<2x8192xi32, #tpu.memory_space<hbm>> -> memref<1x8192xi32, #tpu.memory_space<hbm>>
      %dma_start3A_15 = tpu.memref_squeeze %dma_start3A_14 : memref<1x8192xi32, #tpu.memory_space<hbm>> -> memref<8192xi32, #tpu.memory_space<hbm>>
      %dma_start3A_16 = arith.constant 0 : i32
      %dma_start3A_17 = tpu.memref_slice %arg3[%and3A_2, %dma_start3A_16] : memref<2x8192xi32, #tpu.memory_space<hbm>> -> memref<1x8192xi32, #tpu.memory_space<hbm>>
      %dma_start3A_18 = tpu.memref_squeeze %dma_start3A_17 : memref<1x8192xi32, #tpu.memory_space<hbm>> -> memref<8192xi32, #tpu.memory_space<hbm>>
      tpu.enqueue_dma source(%dma_start3A_18 : memref<8192xi32, #tpu.memory_space<hbm>>) target(%arg6 : memref<8192xi32, #tpu.memory_space<vmem>>) target_semaphore(%run_scoped3A : memref<!tpu.dma_semaphore, #tpu.memory_space<semaphore_mem>>)
      %dma_wait3A = arith.constant 0 : i32
      %dma_wait3A_19 = tpu.memref_slice %arg3[%and3A_2, %dma_wait3A] : memref<2x8192xi32, #tpu.memory_space<hbm>> -> memref<1x8192xi32, #tpu.memory_space<hbm>>
      %dma_wait3A_20 = tpu.memref_squeeze %dma_wait3A_19 : memref<1x8192xi32, #tpu.memory_space<hbm>> -> memref<8192xi32, #tpu.memory_space<hbm>>
      %dma_wait3A_21 = arith.constant 0 : i32
      %dma_wait3A_22 = tpu.memref_slice %arg3[%and3A_2, %dma_wait3A_21] : memref<2x8192xi32, #tpu.memory_space<hbm>> -> memref<1x8192xi32, #tpu.memory_space<hbm>>
      %dma_wait3A_23 = tpu.memref_squeeze %dma_wait3A_22 : memref<1x8192xi32, #tpu.memory_space<hbm>> -> memref<8192xi32, #tpu.memory_space<hbm>>
      tpu.wait_dma2 semaphore(%run_scoped3A : memref<!tpu.dma_semaphore, #tpu.memory_space<semaphore_mem>>) src(%dma_wait3A_23 : memref<8192xi32, #tpu.memory_space<hbm>>) dst(%arg6 : memref<8192xi32, #tpu.memory_space<vmem>>)
      tpu.yield
    }) : () -> ()
    "tpu.region"() ({
      %run_scoped3A = tpu.sem_alloc : memref<!tpu.dma_semaphore, #tpu.memory_space<semaphore_mem>>
      %dma_start3A = arith.constant 0 : i32
      %dma_start3A_14 = tpu.memref_slice %arg2[%reduce_max3A_9, %dma_start3A] : memref<32x100000xi32, #tpu.memory_space<hbm>> -> memref<1x100000xi32, #tpu.memory_space<hbm>>
      %dma_start3A_15 = tpu.memref_squeeze %dma_start3A_14 : memref<1x100000xi32, #tpu.memory_space<hbm>> -> memref<100000xi32, #tpu.memory_space<hbm>>
      %dma_start3A_16 = arith.constant 0 : i32
      %dma_start3A_17 = tpu.memref_slice %arg2[%reduce_max3A_9, %dma_start3A_16] : memref<32x100000xi32, #tpu.memory_space<hbm>> -> memref<1x100000xi32, #tpu.memory_space<hbm>>
      %dma_start3A_18 = tpu.memref_squeeze %dma_start3A_17 : memref<1x100000xi32, #tpu.memory_space<hbm>> -> memref<100000xi32, #tpu.memory_space<hbm>>
      tpu.enqueue_dma source(%dma_start3A_18 : memref<100000xi32, #tpu.memory_space<hbm>>) target(%arg7 : memref<100000xi32, #tpu.memory_space<vmem>>) target_semaphore(%run_scoped3A : memref<!tpu.dma_semaphore, #tpu.memory_space<semaphore_mem>>)
      %dma_wait3A = arith.constant 0 : i32
      %dma_wait3A_19 = tpu.memref_slice %arg2[%reduce_max3A_9, %dma_wait3A] : memref<32x100000xi32, #tpu.memory_space<hbm>> -> memref<1x100000xi32, #tpu.memory_space<hbm>>
      %dma_wait3A_20 = tpu.memref_squeeze %dma_wait3A_19 : memref<1x100000xi32, #tpu.memory_space<hbm>> -> memref<100000xi32, #tpu.memory_space<hbm>>
      %dma_wait3A_21 = arith.constant 0 : i32
      %dma_wait3A_22 = tpu.memref_slice %arg2[%reduce_max3A_9, %dma_wait3A_21] : memref<32x100000xi32, #tpu.memory_space<hbm>> -> memref<1x100000xi32, #tpu.memory_space<hbm>>
      %dma_wait3A_23 = tpu.memref_squeeze %dma_wait3A_22 : memref<1x100000xi32, #tpu.memory_space<hbm>> -> memref<100000xi32, #tpu.memory_space<hbm>>
      tpu.wait_dma2 semaphore(%run_scoped3A : memref<!tpu.dma_semaphore, #tpu.memory_space<semaphore_mem>>) src(%dma_wait3A_23 : memref<100000xi32, #tpu.memory_space<hbm>>) dst(%arg7 : memref<100000xi32, #tpu.memory_space<vmem>>)
      tpu.yield
    }) : () -> ()
    %parallel_loop3A = arith.constant 0 : i32
    %parallel_loop3A_10 = arith.constant 8192 : i32
    %parallel_loop3A_11 = arith.constant 16 : i32
    scf.for %parallel_loop3A_14 = %parallel_loop3A to %parallel_loop3A_10 step %parallel_loop3A_11  : i32 {
      %parallel_loop3A_15 = arith.index_cast %parallel_loop3A_14 : i32 to index
      %parallel_loop3A_16 = tpu.vector_load %arg6[%parallel_loop3A_15] {strides = array<i32>} : memref<8192xi32, #tpu.memory_space<vmem>>, vector<16xi32>,
      %parallel_loop3A_17 = tpu.vector_load_idx %arg7[%parallel_loop3A_16] : memref<100000xi32, #tpu.memory_space<vmem>>[vector<16xi32>], vector<16xi32>,
      %parallel_loop3A_18 = arith.index_cast %parallel_loop3A_14 : i32 to index
      %parallel_loop3A_19 = tpu.vector_load %arg8[%parallel_loop3A_18] {strides = array<i32>} : memref<8192xi32, #tpu.memory_space<vmem>>, vector<16xi32>,
      tpu.vector_store %arg8[%parallel_loop3A_18], %parallel_loop3A_17 {strides = array<i32>} : memref<8192xi32, #tpu.memory_space<vmem>>, vector<16xi32>,
    } {sc.loop_unroll_factor = 8 : i64, sc.parallel_access}
    %mul3A_12 = arith.constant 8192 : i32
    %mul3A_13 = arith.muli %and3A_2, %mul3A_12 : i32
    "tpu.region"() ({
      %run_scoped3A = tpu.sem_alloc : memref<!tpu.dma_semaphore, #tpu.memory_space<semaphore_mem>>
      %dma_start3A = tpu.memref_slice %arg5[%shift_right_arithmetic3A_1, %mul3A_13] : memref<16x16384xi32, #tpu.memory_space<hbm>> -> memref<1x8192xi32, #tpu.memory_space<hbm>>
      %dma_start3A_14 = tpu.memref_squeeze %dma_start3A : memref<1x8192xi32, #tpu.memory_space<hbm>> -> memref<8192xi32, #tpu.memory_space<hbm>>
      %dma_start3A_15 = tpu.memref_slice %arg5[%shift_right_arithmetic3A_1, %mul3A_13] : memref<16x16384xi32, #tpu.memory_space<hbm>> -> memref<1x8192xi32, #tpu.memory_space<hbm>>
      %dma_start3A_16 = tpu.memref_squeeze %dma_start3A_15 : memref<1x8192xi32, #tpu.memory_space<hbm>> -> memref<8192xi32, #tpu.memory_space<hbm>>
      tpu.enqueue_dma source(%arg8 : memref<8192xi32, #tpu.memory_space<vmem>>) target(%dma_start3A_16 : memref<8192xi32, #tpu.memory_space<hbm>>) target_semaphore(%run_scoped3A : memref<!tpu.dma_semaphore, #tpu.memory_space<semaphore_mem>>)
      %dma_wait3A = tpu.memref_slice %arg5[%shift_right_arithmetic3A_1, %mul3A_13] : memref<16x16384xi32, #tpu.memory_space<hbm>> -> memref<1x8192xi32, #tpu.memory_space<hbm>>
      %dma_wait3A_17 = tpu.memref_squeeze %dma_wait3A : memref<1x8192xi32, #tpu.memory_space<hbm>> -> memref<8192xi32, #tpu.memory_space<hbm>>
      %dma_wait3A_18 = tpu.memref_slice %arg5[%shift_right_arithmetic3A_1, %mul3A_13] : memref<16x16384xi32, #tpu.memory_space<hbm>> -> memref<1x8192xi32, #tpu.memory_space<hbm>>
      %dma_wait3A_19 = tpu.memref_squeeze %dma_wait3A_18 : memref<1x8192xi32, #tpu.memory_space<hbm>> -> memref<8192xi32, #tpu.memory_space<hbm>>
      tpu.wait_dma2 semaphore(%run_scoped3A : memref<!tpu.dma_semaphore, #tpu.memory_space<semaphore_mem>>) src(%arg8 : memref<8192xi32, #tpu.memory_space<vmem>>) dst(%dma_wait3A_19 : memref<8192xi32, #tpu.memory_space<hbm>>)
      tpu.yield
    }) : () -> ()
    return
  }
}

</mosaic_0001>

<sc_bundles>
// kernel: kernel.3.cloned.1.call-start
scs
__scs_entry_jumppad:
0x0: {  	(pc) =	sbr.rel $0x88, $3  }
0x1: {  	(tag) =	ssettag $0x0;
	lr =	simm.s32 $0x1  }
0x2: {  	[smem:$0x3F9F] =	sst lr;
	_ =	strace $0xD0000000  }
0x3: {  	_ = 	snop  }
0x4: {  	_ = 	snop  }
0x5: {  	_ = 	snop  }
0x6: {  	_ = 	snop  }
0x7: {  	_ = 	snop  }
__scs_overlays_trampoline_lowered:
0x8: {  	[smem:$0x3FAE] =	sst s0  }
0x9: {  	[smem:$0x3FAF] =	sst s1  }
0xa: {  	[smem:$0x3FB0] =	sst s2  }
0xb: {  	[smem:$0x3FB1] =	sst s3  }
0xc: {  	[smem:$0x3FB2] =	sst s4  }
0xd: {  	[smem:$0x3FB3] =	sst s5  }
0xe: {  	[smem:$0x3FB4] =	sst s6  }
0xf: {  	[smem:$0x3FB5] =	sst s7  }
0x10: {  	[smem:$0x3FB6] =	sst s8  }
0x11: {  	[smem:$0x3FB7] =	sst s9;
	s0 =	simm.s32 @!p0 $0x0  }
0x12: {  	s1 =	sld [smem:$0x3F9D];
	s0 =	simm.s32 @p0 $0x1  }
0x13: {  	[smem:$0x3FB8] =	sst s0;
	s0 =	simm.s32 @!p1 $0x0  }
0x14: {  	s2 =	sld [smem:$0x3F9C];
	s0 =	simm.s32 @p1 $0x1  }
0x15: {  	[smem:$0x3FB9] =	sst s0;
	s0 =	simm.s32 @!p2 $0x0  }
0x16: {  	s3 =	sld [smem:$0x3FDB];
	s0 =	simm.s32 @p2 $0x1  }
0x17: {  	s4 =	simm.s32 $0x1BF5;
	[smem:$0x3FBB] =	sst s0  }
0x18: {  	s0 =	sld [smem:$0x3F9E];
	_ =	swait.ge [sflag:s4], $0x0  }
0x19: {  	s7 =	sld [smem:$0x3F9F]  }
0x1a: {  	s8 =	sadd.s32 $0xFFFFE003, lr  }
0x1b: {  	s9 =	sadd.s32 $0xFFFFFEF7, lr;
	s5 =	simm.s32 $0xFFFFFFFF;
	p2 =	slt.u32 s8, $0xFFFFF086  }
0x1c: {  	p1 =	slt.u32 s9, $0xF7A;
	s5 =	simm.s32 @!p2 $0x0  }
0x1d: {  	s5 =	simm.s32 @p1 $0x1;
	p0 =	seq.s32 s7, s2  }
0x1e: {  	s7 =	smul.u32 @!p0 $0xF7A, s2;
	p2 =	seq.s32 @!p0 s5, $0x0  }
0x1f: {  	s9 =	smul.u32 $0xF7A, s1;
	s8 =	simm.s32 @!p0 $0x1BF5;
	p2 =	por !p2, p0  }
0x20: {  	[sflag:s8] =	ssyncset.s32 @!p0 $0xFFFFF086;
	s6 =	sadd.s32 @!p0 s3, s7;
	s7 =	simm.s32 @!p0 $0x108  }
0x21: {  	s3 =	sadd.s32 s3, s9;
	s6 =	sadd.s32 @!p0 $0x88, s6;
	s7 =	simm.s32 @p2 $0x1082  }
0x22: {  	[simem:s7], [sflag:s8] =	dma.local @!p0 [hbm:s6], $0xF7A  }
0x23: {  	s9 =	sor.u32 $0xD0000000, s2;
	s6 =	simm.s32 $0x108;
	_ =	swait.ge @!p0 [sflag:s8], $0x0  }
0x24: {  	s3 =	sadd.s32 $0x88, s3;
	s6 =	simm.s32 @!p1 $0x1082;
	[sflag:s4] =	ssyncset.s32 $0xFFFFF086  }
0x25: {  	[simem:s6], [sflag:s4] =	dma.local [hbm:s3], $0xF7A  }
0x26: {  	[smem:$0x3F9F] =	sst s1;
	(tag) =	ssettag s2;
	_ =	strace s9  }
0x27: {  	s1 =	sld [smem:$0x3FAF]  }
0x28: {  	s2 =	sld [smem:$0x3FB0]  }
0x29: {  	s4 =	sld [smem:$0x3FB2]  }
0x2a: {  	p0 =	seq.s32 s5, $0x0;
	s5 =	sld [smem:$0x3FB3]  }
0x2b: {  	s6 =	sld [smem:$0x3FB4]  }
0x2c: {  	s7 =	sld [smem:$0x3FB5]  }
0x2d: {  	s3 =	simm.s32 $0x108;
	s8 =	sld [smem:$0x3FB6]  }
0x2e: {  	s3 =	simm.s32 @!p0 $0x1082;
	s9 =	sld [smem:$0x3FB7]  }
0x2f: {  	lr =	sadd.s32 s0, s3;
	s0 =	sld [smem:$0x3FAE]  }
0x30: {  	s3 =	sld [smem:$0x3FB1]  }
0x31: {  	[smem:$0x3FBA] =	sst s10  }
0x32: {  	s10 =	sld [smem:$0x3FB8];
	_ =	sdelay $0x3  }
0x33: {  	p0 =	seq.s32 s10, $0x1;
	s10 =	sld [smem:$0x3FBA];
	_ =	sdelay $0x3  }
0x34: {  	[smem:$0x3FBA] =	sst s10  }
0x35: {  	s10 =	sld [smem:$0x3FB9];
	_ =	sdelay $0x3  }
0x36: {  	p1 =	seq.s32 s10, $0x1;
	s10 =	sld [smem:$0x3FBA];
	_ =	sdelay $0x3  }
0x37: {  	[smem:$0x3FBA] =	sst s10  }
0x38: {  	s10 =	sld [smem:$0x3FBB]  }
0x39: {  	_ = 	snop;
	(pc) =	sbr.ind lr, $3  }
0x3a: {  	_ = 	snop  }
0x3b: {  	_ = 	snop  }
0x3c: {  	p2 =	seq.s32 s10, $0x1;
	s10 =	sld [smem:$0x3FBA]  }
0x3d: {  	_ =	shalt  }
0x3e: {  	_ =	shalt  }
0x3f: {  	_ =	shalt  }
0x40: {  	_ =	shalt  }
0x41: {  	_ =	shalt  }
0x42: {  	_ =	shalt  }
0x43: {  	_ =	shalt  }
0x44: {  	_ =	shalt  }
0x45: {  	_ =	shalt  }
0x46: {  	_ =	shalt  }
0x47: {  	_ =	shalt  }
0x48: {  	_ =	shalt  }
0x49: {  	_ =	shalt  }
0x4a: {  	_ =	shalt  }
0x4b: {  	_ =	shalt  }
0x4c: {  	_ =	shalt  }
0x4d: {  	_ =	shalt  }
0x4e: {  	_ =	shalt  }
0x4f: {  	_ =	shalt  }
0x50: {  	_ =	shalt  }
0x51: {  	_ =	shalt  }
0x52: {  	_ =	shalt  }
0x53: {  	_ =	shalt  }
0x54: {  	_ =	shalt  }
0x55: {  	_ =	shalt  }
0x56: {  	_ =	shalt  }
0x57: {  	_ =	shalt  }
0x58: {  	_ =	shalt  }
0x59: {  	_ =	shalt  }
0x5a: {  	_ =	shalt  }
0x5b: {  	_ =	shalt  }
0x5c: {  	_ =	shalt  }
0x5d: {  	_ =	shalt  }
0x5e: {  	_ =	shalt  }
0x5f: {  	_ =	shalt  }
0x60: {  	_ =	shalt  }
0x61: {  	_ =	shalt  }
0x62: {  	_ =	shalt  }
0x63: {  	_ =	shalt  }
0x64: {  	_ =	shalt  }
0x65: {  	_ =	shalt  }
0x66: {  	_ =	shalt  }
0x67: {  	_ =	shalt  }
0x68: {  	_ =	shalt  }
0x69: {  	_ =	shalt  }
0x6a: {  	_ =	shalt  }
0x6b: {  	_ =	shalt  }
0x6c: {  	_ =	shalt  }
0x6d: {  	_ =	shalt  }
0x6e: {  	_ =	shalt  }
0x6f: {  	_ =	shalt  }
0x70: {  	_ =	shalt  }
0x71: {  	_ =	shalt  }
0x72: {  	_ =	shalt  }
0x73: {  	_ =	shalt  }
0x74: {  	_ =	shalt  }
0x75: {  	_ =	shalt  }
0x76: {  	_ =	shalt  }
0x77: {  	_ =	shalt  }
0x78: {  	_ =	shalt  }
0x79: {  	_ =	shalt  }
0x7a: {  	_ =	shalt  }
0x7b: {  	_ =	shalt  }
0x7c: {  	_ =	shalt  }
0x7d: {  	_ =	shalt  }
0x7e: {  	_ =	shalt  }
0x7f: {  	_ =	shalt  }
0x80: {  	_ =	shalt  }
0x81: {  	_ =	shalt  }
0x82: {  	_ =	shalt  }
0x83: {  	_ =	shalt  }
0x84: {  	_ =	shalt  }
0x85: {  	_ =	shalt  }
0x86: {  	_ =	shalt  }
0x87: {  	_ =	shalt  }
.Lfunc_end0:
.L_simem_size_0:
called_computation_lowered:
.L_overlay_start_0:
0x88: {  	s2 =	sld [smem:$0x3FD9]  }
0x89: {  	s3 =	sld [smem:$0x3FFE];
	_ =	sdelay $0x1  }
0x8a: {  	s1 =	srdreg.scid  }
0x8b: {  	s0 =	sand.u32 $0x1, s1  }
0x8c: {  	s17 =	sshll.u32 s0, $0xA;
	s2 =	sadd.s32 s3, s2  }
0x8d: {  	s2 =	sadd.s32 s2, s17  }
0x8e: {  	[smem:$0x3FC6] =	sst s2  }
0x8f: {  	_ = 	snop  }
0x90: {  	s2 =	sld [smem:$0x3FD0];
	(tm) =	ssettm $0x1  }
0x91: {  	s18 =	sld [smem:$0x3FFB];
	_ =	sdelay $0x3  }
0x92: {  	_ =	strace s18  }
0x93: {  	s3 =	sld [smem:$0x3FFC];
	_ =	sdelay $0x3  }
0x94: {  	_ =	strace s3  }
0x95: {  	s3 =	sld [smem:$0x3FFD];
	_ =	sdelay $0x3  }
0x96: {  	_ =	strace s3  }
0x97: {  	_ =	strace $0x8FFFFFFF  }
0x98: {  	s19 =	sld [smem:$0x3FDB];
	_ =	sdelay $0x1  }
0x99: {  	s4 =	simm.s32 $_scs_section_size  }
0x9a: {  	s5 =	simm.s32 $_size__tile_overlayer_lowered;
	s6 =	simm.s32 $_tile_overlayer_lowered  }
0x9b: {  	s22 =	simm.s32 $0x1BFF;
	s21 =	sshll.u32 s6, $0x1;
	s3 =	sadd.s32 s4, s19  }
0x9c: {  	s7 =	simm.s32 $0x0;
	s20 =	sshll.u32 s5, $0x1;
	s5 =	sadd.s32 s21, s3  }
0x9d: {  	[timem:s7], [sflag:s22] =	dma.local [hbm:s5], s20  }
0x9e: {  	_ =	swait.ge [sflag:s22], s20  }
0x9f: {  	s4 =	ssub.s32 $0x0, s20;
	[sflag:s22] =	ssyncset.done $0x0  }
0xa0: {  	[sflag:s22] =	ssyncadd.s32 s4;
	_ =	sdelay $0x1  }
0xa1: {  	s23 =	simm.s32 $0x1B8B  }
0xa2: {  	_ =	swait.ge [sflag:s23], $0x1  }
0xa3: {  	[sflag:s23] =	ssyncset.done $0x0  }
0xa4: {  	s25 =	simm.s32 $0x1B8E;
	s24 =	sld [smem:$0x3FFE];
	[sflag:s23] =	ssyncadd.s32 $0xFFFFFFFF  }
0xa5: {  	s26 =	simm.s32 $execute0_lowered;
	[smem:$0x3FD2] =	sst s25  }
0xa6: {  	s5 =	sshll.u32 s26, $0x1;
	_ =	strace $0x80000046;
	[dreg:$0x1] =	wrdreg $0xFFFFFFFF  }
0xa7: {  	s28 =	simm.s32 $_size_execute0_lowered;
	s3 =	sadd.s32 s3, s5;
	[dreg:$0x0] =	wrdreg $0x0  }
0xa8: {  	s5 =	sshll.u32 s28, $0x1;
	[dreg:$0x2] =	wrdreg s3  }
0xa9: {  	[dreg:$0x3] =	wrdreg s5  }
0xaa: {  	[dreg:$0x4] =	wrdreg $0xC0  }
0xab: {  	_ =	task [dreg:s7], $0x5FFFF  }
0xac: {  	[dreg:$0x1] =	wrdreg $0xFFFFFFFF  }
0xad: {  	[dreg:$0x0] =	wrdreg $0x60  }
0xae: {  	[dreg:$0x2] =	wrdreg s24  }
0xaf: {  	[dreg:$0x3] =	wrdreg s2  }
0xb0: {  	[dreg:$0x4] =	wrdreg $0x9  }
0xb1: {  	_ =	task.clear_ibuf [dreg:s7], $0x5FFFF;
	_ =	strace $0x90000046  }
0xb2: {  	s29 =	simm.s32 $0x9;
	_ =	strace $0x80000048  }
0xb3: {  	_ =	swait.ge [sflag:s29], $0x1  }
0xb4: {  	[sflag:s29] =	ssyncadd.s32 $0xFFFFFFFF  }
0xb5: {  	_ =	strace $0x90000048  }
0xb6: {  	_ =	sfence  }
0xb7: {  	s30 =	sld [smem:$0x0];
	_ =	sdelay $0x2  }
0xb8: {  	s31 =	sshll.u32 s1, $0xD;
	s1 =	sshrl.u32 s1, $0x2  }
0xb9: {  	s3 =	sand.u32 $0x4000, s31;
	s1 =	sadd.s32 s1, s30  }
0xba: {  	s0 =	sor.u32 s3, s0;
	s1 =	sshll.u32 s1, $0x11  }
0xbb: {  	s0 =	sor.u32 s1, s0  }
0xbc: {  	s0 =	sadd.s32 $0x8F2B, s0  }
0xbd: {  	[sflag:s0] =	ssyncadd.remote.s32 $0x1  }
0xbe: {  	_ =	sfence.sel $0xFFFF  }
0xbf: {  	[dreg:$0x0] =	wrdreg $0xFFFFFFFF;
	(pc) =	sbr.abs _section_cstart, $3  }
0xc0: {  	[dreg:$0x1] =	wrdreg $0xFFFFFFFF  }
0xc1: {  	_ =	task.clear_ibuf [dreg:s7], $0x2FFFF;
	_ =	strace $0x9FFFFFFF  }
0xc2: {  	(tm) =	ssettm $0x7FFFFFFF  }
0xc3: {  	_ =	shalt  }
tec
execute0_lowered:
.L_overlay_start_1:
0x0: {  	(tag) =	ssettag $0x1  }
0x1: {  	s2 =	rddreg [dreg:$0x0]  }
0x2: {  	s5 =	rddreg [dreg:$0x1]  }
0x3: {  	s0 =	rddreg [dreg:$0x2];
	s1 =	simm.s32 $0x0  }
0x4: {  	s3 =	srdreg.scid;
	s11 =	simm.s32 $0x100;
	s12 =	simm.s32 $0x400  }
0x5: {  	s13 =	simm.s32 $0x2000;
	s14 =	simm.s32 $0x1A700;
	s15 =	simm.s32 $0x0  }
0x6: {  	[smem:$0x7FF] =	sst s1;
	s6 =	sand.u32 $0x1, s3;
	s3 =	sadd.s32 $0x1000, s2  }
0x7: {  	s4 =	sshll.u32 s6, $0x4;
	s8 =	ssub.s32 $0x2, s6;
	s6 =	sshll.u32 s6, $0xD  }
0x8: {  	s7 =	sadd.s32 s4, s2;
	s4 =	sadd.s32 $0x62C00, s2;
	s2 =	stileid.u32  }
0x9: {  	_ =	strace $0x80000047;
	s5 =	sadd.s32 s5, s6;
	s9 =	sshll.u32 s2, $0xB  }
0xa: {  	s31 =	sshrl.u32 s8, $0x1;
	s10 =	sshll.u32 s2, $0x4;
	s9 =	sand.u32 $0x4000, s9  }
0xb: {  	s8 =	ssub.s32 s8, s31;
	s10 =	sand.u32 $0x70, s10;
	s9 =	sadd.s32 s9, s5  }
0xc: {  	s5 =	sadd.s32 $0x800, s7;
	s7 =	smax.u32 s8, $0x1;
	s8 =	simm.s32 $0x1C700  }
0xd: {  	v0 =	vmov s2;
	s6 =	sadd.s32 s10, s9;
	s9 =	simm.s32 $0x1;
	s10 =	simm.s32 $0x80  }
.LBB2_1:
0xe: {  	[tilespmem:s8], [sflag:$0x1] =	stream.linear.gather [hbm4b:s4+s1], $0x80, $0x38;
	[tilespmem:$0x1C780] =	vst v63  }
0xf: {  	_ =	swait.ge [sflag:s9], $0x80  }
0x10: {  	[sflag:s9] =	ssyncset.done $0x0  }
0x11: {  	[sflag:s9] =	ssyncadd.s32 $0xFFFFFF80  }
0x12: {  	v1 =	vld.idx.msk [tilespmem:v0+s8+$0x0], $0xffff;
	_ =	sdelay $0x3  }
0x13: {  	[tilespmem:s1], [sflag:$0x1] =	stream.strided.gather [hbm4b:s5+s10], $0x2000, s11, s10, $0x38;
	[tilespmem:$0x1C780] =	vst v63  }
0x14: {  	_ =	swait.ge [sflag:s9], $0x2000;
	v1 =	vxor.u32 $0x80000000, v1  }
0x15: {  	(xrf0) =	vmax.scan.msk.u32 $0xffff, v1;
	_ =	sdelay $0x5  }
0x16: {  	v1, _, _ =	vpop (xrf0)  }
0x17: {  	(v2sf) =	vpush v1, $0xF;
	_ =	sdelay $0xe  }
0x18: {  	s16 =	spop (v2sf)  }
0x19: {  	s17 =	sshrl.u32 s16, $0x3  }
0x1a: {  	s16 =	sshll.u32 s16, $0x7;
	s17 =	smul.u32 $0xC3800, s17  }
0x1b: {  	s16 =	sand.u32 $0x380, s16  }
0x1c: {  	s16 =	sor.u32 s16, s17  }
0x1d: {  	[sflag:s9] =	ssyncset.done $0x0;
	s16 =	sshrl.u32 s16, $0x3  }
0x1e: {  	[sflag:s9] =	ssyncadd.s32 $0xFFFFE000;
	s16 =	sadd.s32 s3, s16  }
0x1f: {  	[tilespmem:s13], [sflag:$0x1] =	stream.strided.gather [hbm4b:s16+s10], $0x18700, s12, s10, $0x38;
	[tilespmem:$0x1C780] =	vst v63  }
0x20: {  	_ =	swait.ge [sflag:s9], $0x18700  }
0x21: {  	[sflag:s9] =	ssyncset.done $0x0  }
0x22: {  	s31 =	simm.s32 $0x40;
	[sflag:s9] =	ssyncadd.s32 $0xFFFE7900  }
0x23: {  	v1 =	vld [tilespmem:s31+$0x30]  }
0x24: {  	v2 =	vld [tilespmem:s31+$0xFFFFFFD0]  }
0x25: {  	v3 =	vld [tilespmem:s31+$0xFFFFFFE0]  }
0x26: {  	v4 =	vld [tilespmem:s31+$0xFFFFFFF0]  }
0x27: {  	v5 =	vld [tilespmem:s31+$0x0]  }
0x28: {  	v7 =	vld [tilespmem:s31+$0x10]  }
0x29: {  	v8 =	vld [tilespmem:s31+$0x20]  }
0x2a: {  	v9 =	vld [tilespmem:s31+$0xFFFFFFC0]  }
0x2b: {  	v10 =	vld.idx.msk [tilespmem:v1+s13+$0x0], $0xffff  }
0x2c: {  	v11 =	vld.idx.msk [tilespmem:v2+s13+$0x0], $0xffff  }
0x2d: {  	v6 =	vld.idx.msk [tilespmem:v3+s13+$0x0], $0xffff  }
0x2e: {  	v4 =	vld.idx.msk [tilespmem:v4+s13+$0x0], $0xffff  }
0x2f: {  	v1 =	vld.idx.msk [tilespmem:v5+s13+$0x0], $0xffff  }
0x30: {  	s16 =	simm.s32 $0x1A740;
	v2 =	vld.idx.msk [tilespmem:v7+s13+$0x0], $0xffff  }
0x31: {  	v3 =	vld.idx.msk [tilespmem:v8+s13+$0x0], $0xffff;
	[tilespmem:s16+$0x30] =	vst v10  }
0x32: {  	s18 =	simm.s32 $0xC0;
	s17 =	simm.s32 $0x0;
	v5 =	vld.idx.msk [tilespmem:v9+s13+$0x0], $0xffff;
	[tilespmem:s16+$0xFFFFFFD0] =	vst v11  }
.LBB2_2:
0x33: {  	v7 =	vld [tilespmem:s18+$0x30];
	s17 =	sadd.s32 $0x80, s17;
	[tilespmem:s16+$0xFFFFFFE0] =	vst v6  }
0x34: {  	v6 =	vld [tilespmem:s18+$0xFFFFFFD0];
	p0 =	slt.u32 s17, $0x1F80;
	[tilespmem:s16+$0xFFFFFFF0] =	vst v4  }
0x35: {  	v4 =	vld [tilespmem:s18+$0xFFFFFFE0];
	[tilespmem:s16+$0x0] =	vst v1  }
0x36: {  	v1 =	vld [tilespmem:s18+$0xFFFFFFF0];
	[tilespmem:s16+$0x10] =	vst v2  }
0x37: {  	v2 =	vld [tilespmem:s18+$0x0];
	[tilespmem:s16+$0x20] =	vst v3  }
0x38: {  	v3 =	vld [tilespmem:s18+$0x10];
	[tilespmem:s16+$0xFFFFFFC0] =	vst v5  }
0x39: {  	v5 =	vld [tilespmem:s18+$0x20]  }
0x3a: {  	v8 =	vld [tilespmem:s18+$0xFFFFFFC0]  }
0x3b: {  	v7 =	vld.idx.msk [tilespmem:v7+s13+$0x0], $0xffff  }
0x3c: {  	v9 =	vld.idx.msk [tilespmem:v6+s13+$0x0], $0xffff  }
0x3d: {  	v6 =	vld.idx.msk [tilespmem:v4+s13+$0x0], $0xffff  }
.Ltmp0:
0x3e: {  	v4 =	vld.idx.msk [tilespmem:v1+s13+$0x0], $0xffff;
	(pc) =	sbr.rel @p0 .LBB2_2-.Ltmp0, $4  }
0x3f: {  	v1 =	vld.idx.msk [tilespmem:v2+s13+$0x0], $0xffff  }
0x40: {  	s16 =	sadd.s32 $0x80, s16;
	v2 =	vld.idx.msk [tilespmem:v3+s13+$0x0], $0xffff  }
0x41: {  	v3 =	vld.idx.msk [tilespmem:v5+s13+$0x0], $0xffff;
	[tilespmem:s16+$0x30] =	vst v7  }
0x42: {  	s18 =	sadd.s32 $0x80, s18;
	v5 =	vld.idx.msk [tilespmem:v8+s13+$0x0], $0xffff;
	[tilespmem:s16+$0xFFFFFFD0] =	vst v9  }
0x43: {  	[tilespmem:s16+$0xFFFFFFE0] =	vst v6  }
0x44: {  	[tilespmem:s16+$0xFFFFFFF0] =	vst v4  }
0x45: {  	[tilespmem:s16+$0x0] =	vst v1  }
0x46: {  	s15 =	sadd.s32 $0x1, s15;
	[tilespmem:s16+$0x10] =	vst v2  }
0x47: {  	p0 =	sne.s32 s15, s7;
	[tilespmem:s16+$0x20] =	vst v3  }
.Ltmp1:
0x48: {  	[tilespmem:s16+$0xFFFFFFC0] =	vst v5;
	(pc) =	sbr.rel @p0 .LBB2_1-.Ltmp1, $4  }
0x49: {  	[hbm4b:s6+s10] =	stream.strided.scatter [tilespmem:s14], [sflag:$0x1], $0x2000, s12, s10, $0x38;
	[tilespmem:$0x1C780] =	vst v63  }
0x4a: {  	_ =	swait.ge [sflag:s9], $0x2000  }
0x4b: {  	[sflag:s9] =	ssyncset.done $0x0  }
0x4c: {  	[sflag:s9] =	ssyncadd.s32 $0xFFFFE000  }
0x4d: {  	_ =	sfence.sel $0x180000  }
0x4e: {  	[bflag:$0x0] =	sbarrier.arrive $0xFFFF  }
0x4f: {  	p0 =	sne.s32 s2, $0x0;
	_ =	strace $0x90000047  }
0x50: {  	s0 =	sadd.s32 @!p0 $0x100000, s0;
	[bflag:$0x2] =	sbarrier.arrive $0xFFFF  }
0x51: {  	[sflag:s0] =	ssyncadd.tile.s32 @!p0 $0x1;
	_ =	shalt  }
.Lfunc_end2:
_tile_overlayer_lowered:
.L_overlay_start_2:
0x52: {  	(tag) =	ssettag $0x2  }
0x53: {  	s0 =	rddreg [dreg:$0x0];
	s2 =	stileid.u32  }
0x54: {  	s1 =	rddreg [dreg:$0x1];
	p0 =	sne.s32 s2, $0x0  }
0x55: {  	s3 =	rddreg [dreg:$0x2];
	[bflag:$0x3] =	sbarrier.arrive $0xFFFF;
	s2 =	simm.s32 @!p0 $0x1C01  }
0x56: {  	[timem:s3], [sflag:s2] =	dma.local @!p0 [hbm:s0], s1  }
0x57: {  	s0 =	simm.s32 @!p0 $0x1  }
0x58: {  	_ =	swait.ge @!p0 [sflag:s0], s1  }
0x59: {  	s1 =	ssub.s32 @!p0 $0x0, s1;
	[sflag:s0] =	ssyncset.done @!p0 $0x0  }
0x5a: {  	[sflag:s0] =	ssyncadd.s32 @!p0 s1  }
0x5b: {  	[bflag:$0x3] =	sbarrier.arrive $0xFFFF  }
0x5c: {  	_ =	shalt  }

</sc_bundles>
